<compile_context>
chip_gen: v7x
topology: tpu7x:2x2x1
jax: 0.10.2.dev20260603
libtpu: 0.0.44.dev20260713+nightly
codegen_flags: <defaults>
</compile_context>

<pallas_src>
import functools

import jax
import jax.numpy as jnp
from jax import lax
from jax.experimental import pallas as pl
from jax.experimental.pallas import tpu as pltpu
from jax.experimental.pallas import tpu_sc as plsc

VOCAB = 1000
EMBED = 128
BATCH = 4096
SEQ = 200
N = BATCH * SEQ

NC = 2
NS = 16
NW = NC * NS
B_PER_W = N // NW
CHUNK = 128
NSETS = 5
BODY = NSETS * CHUNK
NB = B_PER_W // BODY
W_BLK = 64


@functools.partial(
    pl.kernel,
    out_type=jax.ShapeDtypeStruct((N, EMBED), jnp.float32),
    mesh=plsc.VectorSubcoreMesh(core_axis_name="c", subcore_axis_name="s"),
    scratch_types=(
        [pltpu.VMEM((B_PER_W,), jnp.int32)]
        + [pltpu.VMEM_SHARED((VOCAB, EMBED), jnp.float32)]
        + [pltpu.VMEM((CHUNK, EMBED), jnp.float32) for _ in range(NSETS)]
        + [pltpu.SemaphoreType.DMA for _ in range(2 * NSETS)]
    ),
)
def _embed_lookup(x_hbm, w_hbm, out_hbm, idx_v, w_sh, *bufs_and_sems):
    rows = bufs_and_sems[:NSETS]
    gsem = bufs_and_sems[NSETS:2 * NSETS]
    ssem = bufs_and_sems[2 * NSETS:3 * NSETS]

    sid = lax.axis_index("s")
    wid = sid * NC + lax.axis_index("c")
    base = wid * B_PER_W

    @pl.when(sid < NS - 1)
    def _():
        pltpu.sync_copy(
            w_hbm.at[pl.ds(sid * W_BLK, W_BLK)],
            w_sh.at[pl.ds(sid * W_BLK, W_BLK)],
        )

    @pl.when(sid == NS - 1)
    def _():
        pltpu.sync_copy(
            w_hbm.at[pl.ds((NS - 1) * W_BLK, VOCAB - (NS - 1) * W_BLK)],
            w_sh.at[pl.ds((NS - 1) * W_BLK, VOCAB - (NS - 1) * W_BLK)],
        )

    pltpu.sync_copy(x_hbm.at[pl.ds(base, B_PER_W)], idx_v)
    plsc.subcore_barrier()

    def idx_slice(local_off):
        return idx_v.at[pl.ds(local_off, CHUNK)]

    def step(i, carry):
        loc = i * BODY
        off = base + loc

        for s in range(NSETS):
            @pl.when(i > 0)
            def _():
                pltpu.make_async_copy(
                    rows[s], out_hbm.at[pl.ds(off, CHUNK)], ssem[s]
                ).wait()
            pltpu.async_copy(
                w_sh.at[idx_slice(loc + s * CHUNK)], rows[s], gsem[s]
            )

        for s in range(NSETS):
            pltpu.make_async_copy(
                w_sh.at[idx_slice(loc + s * CHUNK)], rows[s], gsem[s]
            ).wait()
            pltpu.async_copy(
                rows[s], out_hbm.at[pl.ds(off + s * CHUNK, CHUNK)], ssem[s]
            )
        return carry

    lax.fori_loop(0, NB, step, 0)

    for s in range(NSETS):
        pltpu.make_async_copy(
            rows[s], out_hbm.at[pl.ds(base, CHUNK)], ssem[s]
        ).wait()


def kernel(x, weight):
    xf = x.reshape(N).astype(jnp.int32)
    out = _embed_lookup(xf, weight)
    return out.reshape(BATCH, SEQ, EMBED)

# --- scband reference (transcript-rebuilt; emitter-appended) ---
"""Pipeline reference for scband-char-embedding-9028021256511 (READ-ONLY COPY).

The authoritative reference and input builder live on the scoring server;
editing this copy changes nothing except your own understanding.
"""

import jax, jax.numpy as jnp
import numpy as np

VOCAB = 1000
EMBED = 128
BATCH = 4096
SEQ = 200
PADDING_IDX = 0  # hps.char_set.find('P') assumed to be 0


def setup_inputs(seed: int = 0) -> dict:
    key = jax.random.key(seed)
    kx = jax.random.fold_in(key, 0)
    kw = jax.random.fold_in(key, 1)
    x = jax.random.randint(kx, (BATCH, SEQ), 0, VOCAB, dtype=jnp.int64 if jax.config.jax_enable_x64 else jnp.int32)
    weight = jax.random.normal(kw, (VOCAB, EMBED), dtype=jnp.float32)
    # nn.Embedding with padding_idx zeroes the padding row at init
    weight = weight.at[PADDING_IDX].set(0.0)
    return {"x": x, "weight": weight}


def reference(x, weight):
    # CharEmbedding.forward: return self.net(x)  -> embedding lookup
    return jnp.take(weight, x, axis=0)

if __name__ == "__main__":
    import jax
    _d = setup_inputs()
    print(jax.jit(kernel)(*tuple(_d.values())))

</pallas_src>

<mosaic_0001>
#map = affine_map<(d0, d1) -> (0)>
#map1 = affine_map<(d0, d1) -> (0, 0)>
module attributes {stable_mosaic.version = 14 : i64} {
  func.func @_embed_lookup(%arg0: i32, %arg1: i32, %arg2: memref<819200xi32, #tpu.memory_space<hbm>>, %arg3: memref<1000x128xf32, #tpu.memory_space<hbm>>, %arg4: memref<819200x128xf32, #tpu.memory_space<hbm>>, %arg5: memref<25600xi32, #tpu.memory_space<vmem>>, %arg6: memref<1000x128xf32, #tpu.memory_space<vmem_shared>>, %arg7: memref<128x128xf32, #tpu.memory_space<vmem>>, %arg8: memref<128x128xf32, #tpu.memory_space<vmem>>, %arg9: memref<128x128xf32, #tpu.memory_space<vmem>>, %arg10: memref<128x128xf32, #tpu.memory_space<vmem>>, %arg11: memref<128x128xf32, #tpu.memory_space<vmem>>, %arg12: memref<!tpu.dma_semaphore, #tpu.memory_space<semaphore_mem>>, %arg13: memref<!tpu.dma_semaphore, #tpu.memory_space<semaphore_mem>>, %arg14: memref<!tpu.dma_semaphore, #tpu.memory_space<semaphore_mem>>, %arg15: memref<!tpu.dma_semaphore, #tpu.memory_space<semaphore_mem>>, %arg16: memref<!tpu.dma_semaphore, #tpu.memory_space<semaphore_mem>>, %arg17: memref<!tpu.dma_semaphore, #tpu.memory_space<semaphore_mem>>, %arg18: memref<!tpu.dma_semaphore, #tpu.memory_space<semaphore_mem>>, %arg19: memref<!tpu.dma_semaphore, #tpu.memory_space<semaphore_mem>>, %arg20: memref<!tpu.dma_semaphore, #tpu.memory_space<semaphore_mem>>, %arg21: memref<!tpu.dma_semaphore, #tpu.memory_space<semaphore_mem>>) attributes {dimension_semantics = [#tpu.dimension_semantics<core_parallel>, #tpu.dimension_semantics<subcore_parallel>], iteration_bounds = array<i64: 2, 16>, scalar_prefetch = 0 : i64, scratch_operands = 17 : i64, tpu.core_type = #tpu.core_type<sc_vector_subcore>, window_params = [{transform_indices = #map}, {transform_indices = #map1}, {transform_indices = #map1}]} {
    %mul3A = arith.constant 2 : i32
    %mul3A_0 = arith.muli %arg1, %mul3A : i32
    %add3A = arith.addi %mul3A_0, %arg0 : i32
    %mul3A_1 = arith.constant 25600 : i32
    %mul3A_2 = arith.muli %add3A, %mul3A_1 : i32
    %lt3A = arith.constant 15 : i32
    %lt3A_3 = arith.cmpi slt, %arg1, %lt3A : i32
    %convert_element_type3A = arith.extui %lt3A_3 : i1 to i32
    %cond3A = arith.constant 0 : i32
    %cond3A_4 = arith.cmpi ne, %convert_element_type3A, %cond3A : i32
    scf.if %cond3A_4 {
      %mul3A_33 = arith.constant 64 : i32
      %mul3A_34 = arith.muli %arg1, %mul3A_33 : i32
      %mul3A_35 = arith.constant 64 : i32
      %mul3A_36 = arith.muli %arg1, %mul3A_35 : i32
      "tpu.region"() ({
        %run_scoped3A = tpu.sem_alloc : memref<!tpu.dma_semaphore, #tpu.memory_space<semaphore_mem>>
        %dma_start3A = arith.constant 0 : i32
        %dma_start3A_37 = tpu.memref_slice %arg6[%mul3A_36, %dma_start3A] : memref<1000x128xf32, #tpu.memory_space<vmem_shared>> -> memref<64x128xf32, #tpu.memory_space<vmem_shared>>
        %dma_start3A_38 = arith.constant 0 : i32
        %dma_start3A_39 = tpu.memref_slice %arg3[%mul3A_34, %dma_start3A_38] : memref<1000x128xf32, #tpu.memory_space<hbm>> -> memref<64x128xf32, #tpu.memory_space<hbm>>
        tpu.enqueue_dma source(%dma_start3A_39 : memref<64x128xf32, #tpu.memory_space<hbm>>) target(%dma_start3A_37 : memref<64x128xf32, #tpu.memory_space<vmem_shared>>) target_semaphore(%run_scoped3A : memref<!tpu.dma_semaphore, #tpu.memory_space<semaphore_mem>>)
        %dma_wait3A_40 = arith.constant 0 : i32
        %dma_wait3A_41 = tpu.memref_slice %arg6[%mul3A_36, %dma_wait3A_40] : memref<1000x128xf32, #tpu.memory_space<vmem_shared>> -> memref<64x128xf32, #tpu.memory_space<vmem_shared>>
        %dma_wait3A_42 = arith.constant 0 : i32
        %dma_wait3A_43 = tpu.memref_slice %arg3[%mul3A_34, %dma_wait3A_42] : memref<1000x128xf32, #tpu.memory_space<hbm>> -> memref<64x128xf32, #tpu.memory_space<hbm>>
        tpu.wait_dma2 semaphore(%run_scoped3A : memref<!tpu.dma_semaphore, #tpu.memory_space<semaphore_mem>>) src(%dma_wait3A_43 : memref<64x128xf32, #tpu.memory_space<hbm>>) dst(%dma_wait3A_41 : memref<64x128xf32, #tpu.memory_space<vmem_shared>>)
        tpu.yield
      }) : () -> ()
    } else {
    }
    %eq3A = arith.constant 15 : i32
    %eq3A_5 = arith.cmpi eq, %arg1, %eq3A : i32
    %convert_element_type3A_6 = arith.extui %eq3A_5 : i1 to i32
    %cond3A_7 = arith.constant 0 : i32
    %cond3A_8 = arith.cmpi ne, %convert_element_type3A_6, %cond3A_7 : i32
    scf.if %cond3A_8 {
      "tpu.region"() ({
        %run_scoped3A = tpu.sem_alloc : memref<!tpu.dma_semaphore, #tpu.memory_space<semaphore_mem>>
        %dma_start3A = arith.constant 960 : i32
        %dma_start3A_33 = arith.constant 0 : i32
        %dma_start3A_34 = tpu.memref_slice %arg6[%dma_start3A, %dma_start3A_33] : memref<1000x128xf32, #tpu.memory_space<vmem_shared>> -> memref<40x128xf32, #tpu.memory_space<vmem_shared>>
        %dma_start3A_35 = arith.constant 960 : i32
        %dma_start3A_36 = arith.constant 0 : i32
        %dma_start3A_37 = tpu.memref_slice %arg3[%dma_start3A_35, %dma_start3A_36] : memref<1000x128xf32, #tpu.memory_space<hbm>> -> memref<40x128xf32, #tpu.memory_space<hbm>>
        tpu.enqueue_dma source(%dma_start3A_37 : memref<40x128xf32, #tpu.memory_space<hbm>>) target(%dma_start3A_34 : memref<40x128xf32, #tpu.memory_space<vmem_shared>>) target_semaphore(%run_scoped3A : memref<!tpu.dma_semaphore, #tpu.memory_space<semaphore_mem>>)
        %dma_wait3A_38 = arith.constant 960 : i32
        %dma_wait3A_39 = arith.constant 0 : i32
        %dma_wait3A_40 = tpu.memref_slice %arg6[%dma_wait3A_38, %dma_wait3A_39] : memref<1000x128xf32, #tpu.memory_space<vmem_shared>> -> memref<40x128xf32, #tpu.memory_space<vmem_shared>>
        %dma_wait3A_41 = arith.constant 960 : i32
        %dma_wait3A_42 = arith.constant 0 : i32
        %dma_wait3A_43 = tpu.memref_slice %arg3[%dma_wait3A_41, %dma_wait3A_42] : memref<1000x128xf32, #tpu.memory_space<hbm>> -> memref<40x128xf32, #tpu.memory_space<hbm>>
        tpu.wait_dma2 semaphore(%run_scoped3A : memref<!tpu.dma_semaphore, #tpu.memory_space<semaphore_mem>>) src(%dma_wait3A_43 : memref<40x128xf32, #tpu.memory_space<hbm>>) dst(%dma_wait3A_40 : memref<40x128xf32, #tpu.memory_space<vmem_shared>>)
        tpu.yield
      }) : () -> ()
    } else {
    }
    "tpu.region"() ({
      %run_scoped3A = tpu.sem_alloc : memref<!tpu.dma_semaphore, #tpu.memory_space<semaphore_mem>>
      %dma_start3A = tpu.memref_slice %arg2[%mul3A_2] : memref<819200xi32, #tpu.memory_space<hbm>> -> memref<25600xi32, #tpu.memory_space<hbm>>
      %dma_start3A_33 = tpu.memref_slice %arg2[%mul3A_2] : memref<819200xi32, #tpu.memory_space<hbm>> -> memref<25600xi32, #tpu.memory_space<hbm>>
      tpu.enqueue_dma source(%dma_start3A_33 : memref<25600xi32, #tpu.memory_space<hbm>>) target(%arg5 : memref<25600xi32, #tpu.memory_space<vmem>>) target_semaphore(%run_scoped3A : memref<!tpu.dma_semaphore, #tpu.memory_space<semaphore_mem>>)
      %dma_wait3A_34 = tpu.memref_slice %arg2[%mul3A_2] : memref<819200xi32, #tpu.memory_space<hbm>> -> memref<25600xi32, #tpu.memory_space<hbm>>
      %dma_wait3A_35 = tpu.memref_slice %arg2[%mul3A_2] : memref<819200xi32, #tpu.memory_space<hbm>> -> memref<25600xi32, #tpu.memory_space<hbm>>
      tpu.wait_dma2 semaphore(%run_scoped3A : memref<!tpu.dma_semaphore, #tpu.memory_space<semaphore_mem>>) src(%dma_wait3A_35 : memref<25600xi32, #tpu.memory_space<hbm>>) dst(%arg5 : memref<25600xi32, #tpu.memory_space<vmem>>)
      tpu.yield
    }) : () -> ()
    %barrier3A = arith.constant 0 : index
    tpu.barrier barrier_id(%barrier3A)
    %scan3A = arith.constant 0 : i32
    %scan3A_9 = arith.constant 0 : i32
    %scan3A_10 = arith.constant 40 : i32
    %scan3A_11 = arith.addi %scan3A_9, %scan3A_10 : i32
    %scan3A_12 = arith.constant 1 : i32
    scf.for %scan3A_33 = %scan3A_9 to %scan3A_11 step %scan3A_12  : i32 {
      %mul3A_34 = arith.constant 640 : i32
      %mul3A_35 = arith.muli %scan3A_33, %mul3A_34 : i32
      %add3A_36 = arith.addi %mul3A_2, %mul3A_35 : i32
      %gt3A = arith.constant 0 : i32
      %gt3A_37 = arith.cmpi sgt, %scan3A_33, %gt3A : i32
      %convert_element_type3A_38 = arith.extui %gt3A_37 : i1 to i32
      %cond3A_39 = arith.constant 0 : i32
      %cond3A_40 = arith.cmpi ne, %convert_element_type3A_38, %cond3A_39 : i32
      scf.if %cond3A_40 {
        %dma_wait3A_150 = arith.constant 0 : i32
        %dma_wait3A_151 = tpu.memref_slice %arg4[%add3A_36, %dma_wait3A_150] : memref<819200x128xf32, #tpu.memory_space<hbm>> -> memref<128x128xf32, #tpu.memory_space<hbm>>
        %dma_wait3A_152 = arith.constant 0 : i32
        %dma_wait3A_153 = tpu.memref_slice %arg4[%add3A_36, %dma_wait3A_152] : memref<819200x128xf32, #tpu.memory_space<hbm>> -> memref<128x128xf32, #tpu.memory_space<hbm>>
        tpu.wait_dma2 semaphore(%arg17 : memref<!tpu.dma_semaphore, #tpu.memory_space<semaphore_mem>>) src(%arg7 : memref<128x128xf32, #tpu.memory_space<vmem>>) dst(%dma_wait3A_153 : memref<128x128xf32, #tpu.memory_space<hbm>>)
      } else {
      }
      %add3A_41 = arith.constant 0 : i32
      %add3A_42 = arith.addi %mul3A_35, %add3A_41 : i32
      %dma_start3A = tpu.memref_slice %arg5[%add3A_42] : memref<25600xi32, #tpu.memory_space<vmem>> -> memref<128xi32, #tpu.memory_space<vmem>>
      %dma_start3A_43 = arith.constant 0 : i32
      %dma_start3A_44 = arith.constant 0 : i32
      %dma_start3A_45 = tpu.memref_slice %arg6[%dma_start3A_43, %dma_start3A_44] : memref<1000x128xf32, #tpu.memory_space<vmem_shared>> -> memref<1000x128xf32, #tpu.memory_space<vmem_shared>>
      tpu.enqueue_indirect_dma source(%dma_start3A_45 : memref<1000x128xf32, #tpu.memory_space<vmem_shared>>) target(%arg7 : memref<128x128xf32, #tpu.memory_space<vmem>>) offsets(%dma_start3A : memref<128xi32, #tpu.memory_space<vmem>>) semaphore(%arg12 : memref<!tpu.dma_semaphore, #tpu.memory_space<semaphore_mem>>)
      %gt3A_46 = arith.constant 0 : i32
      %gt3A_47 = arith.cmpi sgt, %scan3A_33, %gt3A_46 : i32
      %convert_element_type3A_48 = arith.extui %gt3A_47 : i1 to i32
      %cond3A_49 = arith.constant 0 : i32
      %cond3A_50 = arith.cmpi ne, %convert_element_type3A_48, %cond3A_49 : i32
      scf.if %cond3A_50 {
        %dma_wait3A_150 = arith.constant 0 : i32
        %dma_wait3A_151 = tpu.memref_slice %arg4[%add3A_36, %dma_wait3A_150] : memref<819200x128xf32, #tpu.memory_space<hbm>> -> memref<128x128xf32, #tpu.memory_space<hbm>>
        %dma_wait3A_152 = arith.constant 0 : i32
        %dma_wait3A_153 = tpu.memref_slice %arg4[%add3A_36, %dma_wait3A_152] : memref<819200x128xf32, #tpu.memory_space<hbm>> -> memref<128x128xf32, #tpu.memory_space<hbm>>
        tpu.wait_dma2 semaphore(%arg18 : memref<!tpu.dma_semaphore, #tpu.memory_space<semaphore_mem>>) src(%arg8 : memref<128x128xf32, #tpu.memory_space<vmem>>) dst(%dma_wait3A_153 : memref<128x128xf32, #tpu.memory_space<hbm>>)
      } else {
      }
      %add3A_51 = arith.constant 128 : i32
      %add3A_52 = arith.addi %mul3A_35, %add3A_51 : i32
      %dma_start3A_53 = tpu.memref_slice %arg5[%add3A_52] : memref<25600xi32, #tpu.memory_space<vmem>> -> memref<128xi32, #tpu.memory_space<vmem>>
      %dma_start3A_54 = arith.constant 0 : i32
      %dma_start3A_55 = arith.constant 0 : i32
      %dma_start3A_56 = tpu.memref_slice %arg6[%dma_start3A_54, %dma_start3A_55] : memref<1000x128xf32, #tpu.memory_space<vmem_shared>> -> memref<1000x128xf32, #tpu.memory_space<vmem_shared>>
      tpu.enqueue_indirect_dma source(%dma_start3A_56 : memref<1000x128xf32, #tpu.memory_space<vmem_shared>>) target(%arg8 : memref<128x128xf32, #tpu.memory_space<vmem>>) offsets(%dma_start3A_53 : memref<128xi32, #tpu.memory_space<vmem>>) semaphore(%arg13 : memref<!tpu.dma_semaphore, #tpu.memory_space<semaphore_mem>>)
      %gt3A_57 = arith.constant 0 : i32
      %gt3A_58 = arith.cmpi sgt, %scan3A_33, %gt3A_57 : i32
      %convert_element_type3A_59 = arith.extui %gt3A_58 : i1 to i32
      %cond3A_60 = arith.constant 0 : i32
      %cond3A_61 = arith.cmpi ne, %convert_element_type3A_59, %cond3A_60 : i32
      scf.if %cond3A_61 {
        %dma_wait3A_150 = arith.constant 0 : i32
        %dma_wait3A_151 = tpu.memref_slice %arg4[%add3A_36, %dma_wait3A_150] : memref<819200x128xf32, #tpu.memory_space<hbm>> -> memref<128x128xf32, #tpu.memory_space<hbm>>
        %dma_wait3A_152 = arith.constant 0 : i32
        %dma_wait3A_153 = tpu.memref_slice %arg4[%add3A_36, %dma_wait3A_152] : memref<819200x128xf32, #tpu.memory_space<hbm>> -> memref<128x128xf32, #tpu.memory_space<hbm>>
        tpu.wait_dma2 semaphore(%arg19 : memref<!tpu.dma_semaphore, #tpu.memory_space<semaphore_mem>>) src(%arg9 : memref<128x128xf32, #tpu.memory_space<vmem>>) dst(%dma_wait3A_153 : memref<128x128xf32, #tpu.memory_space<hbm>>)
      } else {
      }
      %add3A_62 = arith.constant 256 : i32
      %add3A_63 = arith.addi %mul3A_35, %add3A_62 : i32
      %dma_start3A_64 = tpu.memref_slice %arg5[%add3A_63] : memref<25600xi32, #tpu.memory_space<vmem>> -> memref<128xi32, #tpu.memory_space<vmem>>
      %dma_start3A_65 = arith.constant 0 : i32
      %dma_start3A_66 = arith.constant 0 : i32
      %dma_start3A_67 = tpu.memref_slice %arg6[%dma_start3A_65, %dma_start3A_66] : memref<1000x128xf32, #tpu.memory_space<vmem_shared>> -> memref<1000x128xf32, #tpu.memory_space<vmem_shared>>
      tpu.enqueue_indirect_dma source(%dma_start3A_67 : memref<1000x128xf32, #tpu.memory_space<vmem_shared>>) target(%arg9 : memref<128x128xf32, #tpu.memory_space<vmem>>) offsets(%dma_start3A_64 : memref<128xi32, #tpu.memory_space<vmem>>) semaphore(%arg14 : memref<!tpu.dma_semaphore, #tpu.memory_space<semaphore_mem>>)
      %gt3A_68 = arith.constant 0 : i32
      %gt3A_69 = arith.cmpi sgt, %scan3A_33, %gt3A_68 : i32
      %convert_element_type3A_70 = arith.extui %gt3A_69 : i1 to i32
      %cond3A_71 = arith.constant 0 : i32
      %cond3A_72 = arith.cmpi ne, %convert_element_type3A_70, %cond3A_71 : i32
      scf.if %cond3A_72 {
        %dma_wait3A_150 = arith.constant 0 : i32
        %dma_wait3A_151 = tpu.memref_slice %arg4[%add3A_36, %dma_wait3A_150] : memref<819200x128xf32, #tpu.memory_space<hbm>> -> memref<128x128xf32, #tpu.memory_space<hbm>>
        %dma_wait3A_152 = arith.constant 0 : i32
        %dma_wait3A_153 = tpu.memref_slice %arg4[%add3A_36, %dma_wait3A_152] : memref<819200x128xf32, #tpu.memory_space<hbm>> -> memref<128x128xf32, #tpu.memory_space<hbm>>
        tpu.wait_dma2 semaphore(%arg20 : memref<!tpu.dma_semaphore, #tpu.memory_space<semaphore_mem>>) src(%arg10 : memref<128x128xf32, #tpu.memory_space<vmem>>) dst(%dma_wait3A_153 : memref<128x128xf32, #tpu.memory_space<hbm>>)
      } else {
      }
      %add3A_73 = arith.constant 384 : i32
      %add3A_74 = arith.addi %mul3A_35, %add3A_73 : i32
      %dma_start3A_75 = tpu.memref_slice %arg5[%add3A_74] : memref<25600xi32, #tpu.memory_space<vmem>> -> memref<128xi32, #tpu.memory_space<vmem>>
      %dma_start3A_76 = arith.constant 0 : i32
      %dma_start3A_77 = arith.constant 0 : i32
      %dma_start3A_78 = tpu.memref_slice %arg6[%dma_start3A_76, %dma_start3A_77] : memref<1000x128xf32, #tpu.memory_space<vmem_shared>> -> memref<1000x128xf32, #tpu.memory_space<vmem_shared>>
      tpu.enqueue_indirect_dma source(%dma_start3A_78 : memref<1000x128xf32, #tpu.memory_space<vmem_shared>>) target(%arg10 : memref<128x128xf32, #tpu.memory_space<vmem>>) offsets(%dma_start3A_75 : memref<128xi32, #tpu.memory_space<vmem>>) semaphore(%arg15 : memref<!tpu.dma_semaphore, #tpu.memory_space<semaphore_mem>>)
      %gt3A_79 = arith.constant 0 : i32
      %gt3A_80 = arith.cmpi sgt, %scan3A_33, %gt3A_79 : i32
      %convert_element_type3A_81 = arith.extui %gt3A_80 : i1 to i32
      %cond3A_82 = arith.constant 0 : i32
      %cond3A_83 = arith.cmpi ne, %convert_element_type3A_81, %cond3A_82 : i32
      scf.if %cond3A_83 {
        %dma_wait3A_150 = arith.constant 0 : i32
        %dma_wait3A_151 = tpu.memref_slice %arg4[%add3A_36, %dma_wait3A_150] : memref<819200x128xf32, #tpu.memory_space<hbm>> -> memref<128x128xf32, #tpu.memory_space<hbm>>
        %dma_wait3A_152 = arith.constant 0 : i32
        %dma_wait3A_153 = tpu.memref_slice %arg4[%add3A_36, %dma_wait3A_152] : memref<819200x128xf32, #tpu.memory_space<hbm>> -> memref<128x128xf32, #tpu.memory_space<hbm>>
        tpu.wait_dma2 semaphore(%arg21 : memref<!tpu.dma_semaphore, #tpu.memory_space<semaphore_mem>>) src(%arg11 : memref<128x128xf32, #tpu.memory_space<vmem>>) dst(%dma_wait3A_153 : memref<128x128xf32, #tpu.memory_space<hbm>>)
      } else {
      }
      %add3A_84 = arith.constant 512 : i32
      %add3A_85 = arith.addi %mul3A_35, %add3A_84 : i32
      %dma_start3A_86 = tpu.memref_slice %arg5[%add3A_85] : memref<25600xi32, #tpu.memory_space<vmem>> -> memref<128xi32, #tpu.memory_space<vmem>>
      %dma_start3A_87 = arith.constant 0 : i32
      %dma_start3A_88 = arith.constant 0 : i32
      %dma_start3A_89 = tpu.memref_slice %arg6[%dma_start3A_87, %dma_start3A_88] : memref<1000x128xf32, #tpu.memory_space<vmem_shared>> -> memref<1000x128xf32, #tpu.memory_space<vmem_shared>>
      tpu.enqueue_indirect_dma source(%dma_start3A_89 : memref<1000x128xf32, #tpu.memory_space<vmem_shared>>) target(%arg11 : memref<128x128xf32, #tpu.memory_space<vmem>>) offsets(%dma_start3A_86 : memref<128xi32, #tpu.memory_space<vmem>>) semaphore(%arg16 : memref<!tpu.dma_semaphore, #tpu.memory_space<semaphore_mem>>)
      %add3A_90 = arith.constant 0 : i32
      %add3A_91 = arith.addi %mul3A_35, %add3A_90 : i32
      %dma_wait3A_92 = tpu.memref_slice %arg5[%add3A_91] : memref<25600xi32, #tpu.memory_space<vmem>> -> memref<128xi32, #tpu.memory_space<vmem>>
      %dma_wait3A_93 = arith.constant 0 : i32
      %dma_wait3A_94 = arith.constant 0 : i32
      %dma_wait3A_95 = tpu.memref_slice %arg6[%dma_wait3A_93, %dma_wait3A_94] : memref<1000x128xf32, #tpu.memory_space<vmem_shared>> -> memref<1000x128xf32, #tpu.memory_space<vmem_shared>>
      tpu.wait_indirect_dma semaphore(%arg12 : memref<!tpu.dma_semaphore, #tpu.memory_space<semaphore_mem>>) src(%dma_wait3A_95 : memref<1000x128xf32, #tpu.memory_space<vmem_shared>>) dst(%arg7 : memref<128x128xf32, #tpu.memory_space<vmem>>)
      %add3A_96 = arith.constant 0 : i32
      %add3A_97 = arith.addi %add3A_36, %add3A_96 : i32
      %dma_start3A_98 = arith.constant 0 : i32
      %dma_start3A_99 = tpu.memref_slice %arg4[%add3A_97, %dma_start3A_98] : memref<819200x128xf32, #tpu.memory_space<hbm>> -> memref<128x128xf32, #tpu.memory_space<hbm>>
      %dma_start3A_100 = arith.constant 0 : i32
      %dma_start3A_101 = tpu.memref_slice %arg4[%add3A_97, %dma_start3A_100] : memref<819200x128xf32, #tpu.memory_space<hbm>> -> memref<128x128xf32, #tpu.memory_space<hbm>>
      tpu.enqueue_dma source(%arg7 : memref<128x128xf32, #tpu.memory_space<vmem>>) target(%dma_start3A_101 : memref<128x128xf32, #tpu.memory_space<hbm>>) target_semaphore(%arg17 : memref<!tpu.dma_semaphore, #tpu.memory_space<semaphore_mem>>)
      %add3A_102 = arith.constant 128 : i32
      %add3A_103 = arith.addi %mul3A_35, %add3A_102 : i32
      %dma_wait3A_104 = tpu.memref_slice %arg5[%add3A_103] : memref<25600xi32, #tpu.memory_space<vmem>> -> memref<128xi32, #tpu.memory_space<vmem>>
      %dma_wait3A_105 = arith.constant 0 : i32
      %dma_wait3A_106 = arith.constant 0 : i32
      %dma_wait3A_107 = tpu.memref_slice %arg6[%dma_wait3A_105, %dma_wait3A_106] : memref<1000x128xf32, #tpu.memory_space<vmem_shared>> -> memref<1000x128xf32, #tpu.memory_space<vmem_shared>>
      tpu.wait_indirect_dma semaphore(%arg13 : memref<!tpu.dma_semaphore, #tpu.memory_space<semaphore_mem>>) src(%dma_wait3A_107 : memref<1000x128xf32, #tpu.memory_space<vmem_shared>>) dst(%arg8 : memref<128x128xf32, #tpu.memory_space<vmem>>)
      %add3A_108 = arith.constant 128 : i32
      %add3A_109 = arith.addi %add3A_36, %add3A_108 : i32
      %dma_start3A_110 = arith.constant 0 : i32
      %dma_start3A_111 = tpu.memref_slice %arg4[%add3A_109, %dma_start3A_110] : memref<819200x128xf32, #tpu.memory_space<hbm>> -> memref<128x128xf32, #tpu.memory_space<hbm>>
      %dma_start3A_112 = arith.constant 0 : i32
      %dma_start3A_113 = tpu.memref_slice %arg4[%add3A_109, %dma_start3A_112] : memref<819200x128xf32, #tpu.memory_space<hbm>> -> memref<128x128xf32, #tpu.memory_space<hbm>>
      tpu.enqueue_dma source(%arg8 : memref<128x128xf32, #tpu.memory_space<vmem>>) target(%dma_start3A_113 : memref<128x128xf32, #tpu.memory_space<hbm>>) target_semaphore(%arg18 : memref<!tpu.dma_semaphore, #tpu.memory_space<semaphore_mem>>)
      %add3A_114 = arith.constant 256 : i32
      %add3A_115 = arith.addi %mul3A_35, %add3A_114 : i32
      %dma_wait3A_116 = tpu.memref_slice %arg5[%add3A_115] : memref<25600xi32, #tpu.memory_space<vmem>> -> memref<128xi32, #tpu.memory_space<vmem>>
      %dma_wait3A_117 = arith.constant 0 : i32
      %dma_wait3A_118 = arith.constant 0 : i32
      %dma_wait3A_119 = tpu.memref_slice %arg6[%dma_wait3A_117, %dma_wait3A_118] : memref<1000x128xf32, #tpu.memory_space<vmem_shared>> -> memref<1000x128xf32, #tpu.memory_space<vmem_shared>>
      tpu.wait_indirect_dma semaphore(%arg14 : memref<!tpu.dma_semaphore, #tpu.memory_space<semaphore_mem>>) src(%dma_wait3A_119 : memref<1000x128xf32, #tpu.memory_space<vmem_shared>>) dst(%arg9 : memref<128x128xf32, #tpu.memory_space<vmem>>)
      %add3A_120 = arith.constant 256 : i32
      %add3A_121 = arith.addi %add3A_36, %add3A_120 : i32
      %dma_start3A_122 = arith.constant 0 : i32
      %dma_start3A_123 = tpu.memref_slice %arg4[%add3A_121, %dma_start3A_122] : memref<819200x128xf32, #tpu.memory_space<hbm>> -> memref<128x128xf32, #tpu.memory_space<hbm>>
      %dma_start3A_124 = arith.constant 0 : i32
      %dma_start3A_125 = tpu.memref_slice %arg4[%add3A_121, %dma_start3A_124] : memref<819200x128xf32, #tpu.memory_space<hbm>> -> memref<128x128xf32, #tpu.memory_space<hbm>>
      tpu.enqueue_dma source(%arg9 : memref<128x128xf32, #tpu.memory_space<vmem>>) target(%dma_start3A_125 : memref<128x128xf32, #tpu.memory_space<hbm>>) target_semaphore(%arg19 : memref<!tpu.dma_semaphore, #tpu.memory_space<semaphore_mem>>)
      %add3A_126 = arith.constant 384 : i32
      %add3A_127 = arith.addi %mul3A_35, %add3A_126 : i32
      %dma_wait3A_128 = tpu.memref_slice %arg5[%add3A_127] : memref<25600xi32, #tpu.memory_space<vmem>> -> memref<128xi32, #tpu.memory_space<vmem>>
      %dma_wait3A_129 = arith.constant 0 : i32
      %dma_wait3A_130 = arith.constant 0 : i32
      %dma_wait3A_131 = tpu.memref_slice %arg6[%dma_wait3A_129, %dma_wait3A_130] : memref<1000x128xf32, #tpu.memory_space<vmem_shared>> -> memref<1000x128xf32, #tpu.memory_space<vmem_shared>>
      tpu.wait_indirect_dma semaphore(%arg15 : memref<!tpu.dma_semaphore, #tpu.memory_space<semaphore_mem>>) src(%dma_wait3A_131 : memref<1000x128xf32, #tpu.memory_space<vmem_shared>>) dst(%arg10 : memref<128x128xf32, #tpu.memory_space<vmem>>)
      %add3A_132 = arith.constant 384 : i32
      %add3A_133 = arith.addi %add3A_36, %add3A_132 : i32
      %dma_start3A_134 = arith.constant 0 : i32
      %dma_start3A_135 = tpu.memref_slice %arg4[%add3A_133, %dma_start3A_134] : memref<819200x128xf32, #tpu.memory_space<hbm>> -> memref<128x128xf32, #tpu.memory_space<hbm>>
      %dma_start3A_136 = arith.constant 0 : i32
      %dma_start3A_137 = tpu.memref_slice %arg4[%add3A_133, %dma_start3A_136] : memref<819200x128xf32, #tpu.memory_space<hbm>> -> memref<128x128xf32, #tpu.memory_space<hbm>>
      tpu.enqueue_dma source(%arg10 : memref<128x128xf32, #tpu.memory_space<vmem>>) target(%dma_start3A_137 : memref<128x128xf32, #tpu.memory_space<hbm>>) target_semaphore(%arg20 : memref<!tpu.dma_semaphore, #tpu.memory_space<semaphore_mem>>)
      %add3A_138 = arith.constant 512 : i32
      %add3A_139 = arith.addi %mul3A_35, %add3A_138 : i32
      %dma_wait3A_140 = tpu.memref_slice %arg5[%add3A_139] : memref<25600xi32, #tpu.memory_space<vmem>> -> memref<128xi32, #tpu.memory_space<vmem>>
      %dma_wait3A_141 = arith.constant 0 : i32
      %dma_wait3A_142 = arith.constant 0 : i32
      %dma_wait3A_143 = tpu.memref_slice %arg6[%dma_wait3A_141, %dma_wait3A_142] : memref<1000x128xf32, #tpu.memory_space<vmem_shared>> -> memref<1000x128xf32, #tpu.memory_space<vmem_shared>>
      tpu.wait_indirect_dma semaphore(%arg16 : memref<!tpu.dma_semaphore, #tpu.memory_space<semaphore_mem>>) src(%dma_wait3A_143 : memref<1000x128xf32, #tpu.memory_space<vmem_shared>>) dst(%arg11 : memref<128x128xf32, #tpu.memory_space<vmem>>)
      %add3A_144 = arith.constant 512 : i32
      %add3A_145 = arith.addi %add3A_36, %add3A_144 : i32
      %dma_start3A_146 = arith.constant 0 : i32
      %dma_start3A_147 = tpu.memref_slice %arg4[%add3A_145, %dma_start3A_146] : memref<819200x128xf32, #tpu.memory_space<hbm>> -> memref<128x128xf32, #tpu.memory_space<hbm>>
      %dma_start3A_148 = arith.constant 0 : i32
      %dma_start3A_149 = tpu.memref_slice %arg4[%add3A_145, %dma_start3A_148] : memref<819200x128xf32, #tpu.memory_space<hbm>> -> memref<128x128xf32, #tpu.memory_space<hbm>>
      tpu.enqueue_dma source(%arg11 : memref<128x128xf32, #tpu.memory_space<vmem>>) target(%dma_start3A_149 : memref<128x128xf32, #tpu.memory_space<hbm>>) target_semaphore(%arg21 : memref<!tpu.dma_semaphore, #tpu.memory_space<semaphore_mem>>)
    }
    %scan3A_13 = arith.constant 40 : i32
    %dma_wait3A = arith.constant 0 : i32
    %dma_wait3A_14 = tpu.memref_slice %arg4[%mul3A_2, %dma_wait3A] : memref<819200x128xf32, #tpu.memory_space<hbm>> -> memref<128x128xf32, #tpu.memory_space<hbm>>
    %dma_wait3A_15 = arith.constant 0 : i32
    %dma_wait3A_16 = tpu.memref_slice %arg4[%mul3A_2, %dma_wait3A_15] : memref<819200x128xf32, #tpu.memory_space<hbm>> -> memref<128x128xf32, #tpu.memory_space<hbm>>
    tpu.wait_dma2 semaphore(%arg17 : memref<!tpu.dma_semaphore, #tpu.memory_space<semaphore_mem>>) src(%arg7 : memref<128x128xf32, #tpu.memory_space<vmem>>) dst(%dma_wait3A_16 : memref<128x128xf32, #tpu.memory_space<hbm>>)
    %dma_wait3A_17 = arith.constant 0 : i32
    %dma_wait3A_18 = tpu.memref_slice %arg4[%mul3A_2, %dma_wait3A_17] : memref<819200x128xf32, #tpu.memory_space<hbm>> -> memref<128x128xf32, #tpu.memory_space<hbm>>
    %dma_wait3A_19 = arith.constant 0 : i32
    %dma_wait3A_20 = tpu.memref_slice %arg4[%mul3A_2, %dma_wait3A_19] : memref<819200x128xf32, #tpu.memory_space<hbm>> -> memref<128x128xf32, #tpu.memory_space<hbm>>
    tpu.wait_dma2 semaphore(%arg18 : memref<!tpu.dma_semaphore, #tpu.memory_space<semaphore_mem>>) src(%arg8 : memref<128x128xf32, #tpu.memory_space<vmem>>) dst(%dma_wait3A_20 : memref<128x128xf32, #tpu.memory_space<hbm>>)
    %dma_wait3A_21 = arith.constant 0 : i32
    %dma_wait3A_22 = tpu.memref_slice %arg4[%mul3A_2, %dma_wait3A_21] : memref<819200x128xf32, #tpu.memory_space<hbm>> -> memref<128x128xf32, #tpu.memory_space<hbm>>
    %dma_wait3A_23 = arith.constant 0 : i32
    %dma_wait3A_24 = tpu.memref_slice %arg4[%mul3A_2, %dma_wait3A_23] : memref<819200x128xf32, #tpu.memory_space<hbm>> -> memref<128x128xf32, #tpu.memory_space<hbm>>
    tpu.wait_dma2 semaphore(%arg19 : memref<!tpu.dma_semaphore, #tpu.memory_space<semaphore_mem>>) src(%arg9 : memref<128x128xf32, #tpu.memory_space<vmem>>) dst(%dma_wait3A_24 : memref<128x128xf32, #tpu.memory_space<hbm>>)
    %dma_wait3A_25 = arith.constant 0 : i32
    %dma_wait3A_26 = tpu.memref_slice %arg4[%mul3A_2, %dma_wait3A_25] : memref<819200x128xf32, #tpu.memory_space<hbm>> -> memref<128x128xf32, #tpu.memory_space<hbm>>
    %dma_wait3A_27 = arith.constant 0 : i32
    %dma_wait3A_28 = tpu.memref_slice %arg4[%mul3A_2, %dma_wait3A_27] : memref<819200x128xf32, #tpu.memory_space<hbm>> -> memref<128x128xf32, #tpu.memory_space<hbm>>
    tpu.wait_dma2 semaphore(%arg20 : memref<!tpu.dma_semaphore, #tpu.memory_space<semaphore_mem>>) src(%arg10 : memref<128x128xf32, #tpu.memory_space<vmem>>) dst(%dma_wait3A_28 : memref<128x128xf32, #tpu.memory_space<hbm>>)
    %dma_wait3A_29 = arith.constant 0 : i32
    %dma_wait3A_30 = tpu.memref_slice %arg4[%mul3A_2, %dma_wait3A_29] : memref<819200x128xf32, #tpu.memory_space<hbm>> -> memref<128x128xf32, #tpu.memory_space<hbm>>
    %dma_wait3A_31 = arith.constant 0 : i32
    %dma_wait3A_32 = tpu.memref_slice %arg4[%mul3A_2, %dma_wait3A_31] : memref<819200x128xf32, #tpu.memory_space<hbm>> -> memref<128x128xf32, #tpu.memory_space<hbm>>
    tpu.wait_dma2 semaphore(%arg21 : memref<!tpu.dma_semaphore, #tpu.memory_space<semaphore_mem>>) src(%arg11 : memref<128x128xf32, #tpu.memory_space<vmem>>) dst(%dma_wait3A_32 : memref<128x128xf32, #tpu.memory_space<hbm>>)
    return
  }
}

</mosaic_0001>

<sc_bundles>
// kernel: kernel.3.cloned.1.call-start
scs
__scs_entry_jumppad:
0x0: {  	(pc) =	sbr.rel $0x88, $3  }
0x1: {  	(tag) =	ssettag $0x0;
	lr =	simm.s32 $0x1  }
0x2: {  	[smem:$0x3F9F] =	sst lr;
	_ =	strace $0xD0000000  }
0x3: {  	_ = 	snop  }
0x4: {  	_ = 	snop  }
0x5: {  	_ = 	snop  }
0x6: {  	_ = 	snop  }
0x7: {  	_ = 	snop  }
__scs_overlays_trampoline_lowered:
0x8: {  	[smem:$0x3FAE] =	sst s0  }
0x9: {  	[smem:$0x3FAF] =	sst s1  }
0xa: {  	[smem:$0x3FB0] =	sst s2  }
0xb: {  	[smem:$0x3FB1] =	sst s3  }
0xc: {  	[smem:$0x3FB2] =	sst s4  }
0xd: {  	[smem:$0x3FB3] =	sst s5  }
0xe: {  	[smem:$0x3FB4] =	sst s6  }
0xf: {  	[smem:$0x3FB5] =	sst s7  }
0x10: {  	[smem:$0x3FB6] =	sst s8  }
0x11: {  	[smem:$0x3FB7] =	sst s9;
	s0 =	simm.s32 @!p0 $0x0  }
0x12: {  	s1 =	sld [smem:$0x3F9D];
	s0 =	simm.s32 @p0 $0x1  }
0x13: {  	[smem:$0x3FB8] =	sst s0;
	s0 =	simm.s32 @!p1 $0x0  }
0x14: {  	s2 =	sld [smem:$0x3F9C];
	s0 =	simm.s32 @p1 $0x1  }
0x15: {  	[smem:$0x3FB9] =	sst s0;
	s0 =	simm.s32 @!p2 $0x0  }
0x16: {  	s3 =	sld [smem:$0x3FDB];
	s0 =	simm.s32 @p2 $0x1  }
0x17: {  	s4 =	simm.s32 $0x1BF5;
	[smem:$0x3FBB] =	sst s0  }
0x18: {  	s0 =	sld [smem:$0x3F9E];
	_ =	swait.ge [sflag:s4], $0x0  }
0x19: {  	s7 =	sld [smem:$0x3F9F]  }
0x1a: {  	s8 =	sadd.s32 $0xFFFFE003, lr  }
0x1b: {  	s9 =	sadd.s32 $0xFFFFFEF7, lr;
	s5 =	simm.s32 $0xFFFFFFFF;
	p2 =	slt.u32 s8, $0xFFFFF086  }
0x1c: {  	p1 =	slt.u32 s9, $0xF7A;
	s5 =	simm.s32 @!p2 $0x0  }
0x1d: {  	s5 =	simm.s32 @p1 $0x1;
	p0 =	seq.s32 s7, s2  }
0x1e: {  	s7 =	smul.u32 @!p0 $0xF7A, s2;
	p2 =	seq.s32 @!p0 s5, $0x0  }
0x1f: {  	s9 =	smul.u32 $0xF7A, s1;
	s8 =	simm.s32 @!p0 $0x1BF5;
	p2 =	por !p2, p0  }
0x20: {  	[sflag:s8] =	ssyncset.s32 @!p0 $0xFFFFF086;
	s6 =	sadd.s32 @!p0 s3, s7;
	s7 =	simm.s32 @!p0 $0x108  }
0x21: {  	s3 =	sadd.s32 s3, s9;
	s6 =	sadd.s32 @!p0 $0x88, s6;
	s7 =	simm.s32 @p2 $0x1082  }
0x22: {  	[simem:s7], [sflag:s8] =	dma.local @!p0 [hbm:s6], $0xF7A  }
0x23: {  	s9 =	sor.u32 $0xD0000000, s2;
	s6 =	simm.s32 $0x108;
	_ =	swait.ge @!p0 [sflag:s8], $0x0  }
0x24: {  	s3 =	sadd.s32 $0x88, s3;
	s6 =	simm.s32 @!p1 $0x1082;
	[sflag:s4] =	ssyncset.s32 $0xFFFFF086  }
0x25: {  	[simem:s6], [sflag:s4] =	dma.local [hbm:s3], $0xF7A  }
0x26: {  	[smem:$0x3F9F] =	sst s1;
	(tag) =	ssettag s2;
	_ =	strace s9  }
0x27: {  	s1 =	sld [smem:$0x3FAF]  }
0x28: {  	s2 =	sld [smem:$0x3FB0]  }
0x29: {  	s4 =	sld [smem:$0x3FB2]  }
0x2a: {  	p0 =	seq.s32 s5, $0x0;
	s5 =	sld [smem:$0x3FB3]  }
0x2b: {  	s6 =	sld [smem:$0x3FB4]  }
0x2c: {  	s7 =	sld [smem:$0x3FB5]  }
0x2d: {  	s3 =	simm.s32 $0x108;
	s8 =	sld [smem:$0x3FB6]  }
0x2e: {  	s3 =	simm.s32 @!p0 $0x1082;
	s9 =	sld [smem:$0x3FB7]  }
0x2f: {  	lr =	sadd.s32 s0, s3;
	s0 =	sld [smem:$0x3FAE]  }
0x30: {  	s3 =	sld [smem:$0x3FB1]  }
0x31: {  	[smem:$0x3FBA] =	sst s10  }
0x32: {  	s10 =	sld [smem:$0x3FB8];
	_ =	sdelay $0x3  }
0x33: {  	p0 =	seq.s32 s10, $0x1;
	s10 =	sld [smem:$0x3FBA];
	_ =	sdelay $0x3  }
0x34: {  	[smem:$0x3FBA] =	sst s10  }
0x35: {  	s10 =	sld [smem:$0x3FB9];
	_ =	sdelay $0x3  }
0x36: {  	p1 =	seq.s32 s10, $0x1;
	s10 =	sld [smem:$0x3FBA];
	_ =	sdelay $0x3  }
0x37: {  	[smem:$0x3FBA] =	sst s10  }
0x38: {  	s10 =	sld [smem:$0x3FBB]  }
0x39: {  	_ = 	snop;
	(pc) =	sbr.ind lr, $3  }
0x3a: {  	_ = 	snop  }
0x3b: {  	_ = 	snop  }
0x3c: {  	p2 =	seq.s32 s10, $0x1;
	s10 =	sld [smem:$0x3FBA]  }
0x3d: {  	_ =	shalt  }
0x3e: {  	_ =	shalt  }
0x3f: {  	_ =	shalt  }
0x40: {  	_ =	shalt  }
0x41: {  	_ =	shalt  }
0x42: {  	_ =	shalt  }
0x43: {  	_ =	shalt  }
0x44: {  	_ =	shalt  }
0x45: {  	_ =	shalt  }
0x46: {  	_ =	shalt  }
0x47: {  	_ =	shalt  }
0x48: {  	_ =	shalt  }
0x49: {  	_ =	shalt  }
0x4a: {  	_ =	shalt  }
0x4b: {  	_ =	shalt  }
0x4c: {  	_ =	shalt  }
0x4d: {  	_ =	shalt  }
0x4e: {  	_ =	shalt  }
0x4f: {  	_ =	shalt  }
0x50: {  	_ =	shalt  }
0x51: {  	_ =	shalt  }
0x52: {  	_ =	shalt  }
0x53: {  	_ =	shalt  }
0x54: {  	_ =	shalt  }
0x55: {  	_ =	shalt  }
0x56: {  	_ =	shalt  }
0x57: {  	_ =	shalt  }
0x58: {  	_ =	shalt  }
0x59: {  	_ =	shalt  }
0x5a: {  	_ =	shalt  }
0x5b: {  	_ =	shalt  }
0x5c: {  	_ =	shalt  }
0x5d: {  	_ =	shalt  }
0x5e: {  	_ =	shalt  }
0x5f: {  	_ =	shalt  }
0x60: {  	_ =	shalt  }
0x61: {  	_ =	shalt  }
0x62: {  	_ =	shalt  }
0x63: {  	_ =	shalt  }
0x64: {  	_ =	shalt  }
0x65: {  	_ =	shalt  }
0x66: {  	_ =	shalt  }
0x67: {  	_ =	shalt  }
0x68: {  	_ =	shalt  }
0x69: {  	_ =	shalt  }
0x6a: {  	_ =	shalt  }
0x6b: {  	_ =	shalt  }
0x6c: {  	_ =	shalt  }
0x6d: {  	_ =	shalt  }
0x6e: {  	_ =	shalt  }
0x6f: {  	_ =	shalt  }
0x70: {  	_ =	shalt  }
0x71: {  	_ =	shalt  }
0x72: {  	_ =	shalt  }
0x73: {  	_ =	shalt  }
0x74: {  	_ =	shalt  }
0x75: {  	_ =	shalt  }
0x76: {  	_ =	shalt  }
0x77: {  	_ =	shalt  }
0x78: {  	_ =	shalt  }
0x79: {  	_ =	shalt  }
0x7a: {  	_ =	shalt  }
0x7b: {  	_ =	shalt  }
0x7c: {  	_ =	shalt  }
0x7d: {  	_ =	shalt  }
0x7e: {  	_ =	shalt  }
0x7f: {  	_ =	shalt  }
0x80: {  	_ =	shalt  }
0x81: {  	_ =	shalt  }
0x82: {  	_ =	shalt  }
0x83: {  	_ =	shalt  }
0x84: {  	_ =	shalt  }
0x85: {  	_ =	shalt  }
0x86: {  	_ =	shalt  }
0x87: {  	_ =	shalt  }
.Lfunc_end0:
.L_simem_size_0:
called_computation_lowered:
.L_overlay_start_0:
0x88: {  	s2 =	sld [smem:$0x3FD9]  }
0x89: {  	s3 =	sld [smem:$0x3FFE];
	_ =	sdelay $0x1  }
0x8a: {  	s1 =	srdreg.scid  }
0x8b: {  	s0 =	sand.u32 $0x1, s1  }
0x8c: {  	s17 =	sshll.u32 s0, $0xA;
	s2 =	sadd.s32 s3, s2  }
0x8d: {  	s2 =	sadd.s32 s2, s17  }
0x8e: {  	[smem:$0x3FC6] =	sst s2  }
0x8f: {  	_ = 	snop  }
0x90: {  	s2 =	sld [smem:$0x3FC8]  }
0x91: {  	s18 =	sld [smem:$0x3FD0];
	(tm) =	ssettm $0x1  }
0x92: {  	s4 =	sld [smem:$0x3FFB];
	_ =	sdelay $0x3  }
0x93: {  	_ =	strace s4  }
0x94: {  	s4 =	sld [smem:$0x3FFC];
	_ =	sdelay $0x3  }
0x95: {  	_ =	strace s4  }
0x96: {  	s4 =	sld [smem:$0x3FFD];
	_ =	sdelay $0x3  }
0x97: {  	_ =	strace s4  }
0x98: {  	_ =	strace $0x8FFFFFFF  }
0x99: {  	s19 =	sld [smem:$0x3FDB];
	_ =	sdelay $0x1  }
0x9a: {  	s5 =	simm.s32 $_scs_section_size  }
0x9b: {  	s6 =	simm.s32 $_size__tile_overlayer_lowered;
	s7 =	simm.s32 $_tile_overlayer_lowered  }
0x9c: {  	s22 =	simm.s32 $0x1BFF;
	s21 =	sshll.u32 s7, $0x1;
	s4 =	sadd.s32 s5, s19  }
0x9d: {  	s8 =	simm.s32 $0x0;
	s20 =	sshll.u32 s6, $0x1;
	s6 =	sadd.s32 s21, s4  }
0x9e: {  	[timem:s8], [sflag:s22] =	dma.local [hbm:s6], s20  }
0x9f: {  	_ =	swait.ge [sflag:s22], s20  }
0xa0: {  	s5 =	ssub.s32 $0x0, s20;
	[sflag:s22] =	ssyncset.done $0x0  }
0xa1: {  	[sflag:s22] =	ssyncadd.s32 s5;
	_ =	sdelay $0x1  }
0xa2: {  	s23 =	simm.s32 $0x1B8B  }
0xa3: {  	_ =	swait.ge [sflag:s23], $0x1  }
0xa4: {  	[sflag:s23] =	ssyncset.done $0x0  }
0xa5: {  	s25 =	simm.s32 $0x1B8E;
	s24 =	sld [smem:$0x3FFE];
	[sflag:s23] =	ssyncadd.s32 $0xFFFFFFFF  }
0xa6: {  	s26 =	simm.s32 $execute0_lowered;
	[smem:$0x3FD2] =	sst s25  }
0xa7: {  	s6 =	sshll.u32 s26, $0x1;
	_ =	strace $0x80000046;
	[dreg:$0x1] =	wrdreg $0xFFFFFFFF  }
0xa8: {  	s28 =	simm.s32 $_size_execute0_lowered;
	s4 =	sadd.s32 s4, s6;
	[dreg:$0x0] =	wrdreg $0x0  }
0xa9: {  	s6 =	sshll.u32 s28, $0x1;
	[dreg:$0x2] =	wrdreg s4  }
0xaa: {  	[dreg:$0x3] =	wrdreg s6  }
0xab: {  	[dreg:$0x4] =	wrdreg $0xC0  }
0xac: {  	_ =	task [dreg:s8], $0x5FFFF  }
0xad: {  	[dreg:$0x1] =	wrdreg $0xFFFFFFFF  }
0xae: {  	[dreg:$0x0] =	wrdreg $0x60  }
0xaf: {  	[dreg:$0x2] =	wrdreg s24  }
0xb0: {  	[dreg:$0x3] =	wrdreg s2  }
0xb1: {  	[dreg:$0x4] =	wrdreg s18  }
0xb2: {  	[dreg:$0x5] =	wrdreg $0x64000  }
0xb3: {  	[dreg:$0x6] =	wrdreg $0x9  }
0xb4: {  	_ =	task.clear_ibuf [dreg:s8], $0x7FFFF;
	_ =	strace $0x90000046  }
0xb5: {  	s29 =	simm.s32 $0x9;
	_ =	strace $0x80000048  }
0xb6: {  	_ =	swait.ge [sflag:s29], $0x1  }
0xb7: {  	[sflag:s29] =	ssyncadd.s32 $0xFFFFFFFF  }
0xb8: {  	_ =	strace $0x90000048  }
0xb9: {  	_ =	sfence  }
0xba: {  	s30 =	sld [smem:$0x0];
	_ =	sdelay $0x2  }
0xbb: {  	s31 =	sshll.u32 s1, $0xD;
	s1 =	sshrl.u32 s1, $0x2  }
0xbc: {  	s3 =	sand.u32 $0x4000, s31;
	s1 =	sadd.s32 s1, s30  }
0xbd: {  	s0 =	sor.u32 s3, s0;
	s1 =	sshll.u32 s1, $0x11  }
0xbe: {  	s0 =	sor.u32 s1, s0  }
0xbf: {  	s0 =	sadd.s32 $0x8F2B, s0  }
0xc0: {  	[sflag:s0] =	ssyncadd.remote.s32 $0x1  }
0xc1: {  	_ =	sfence.sel $0xFFFF  }
0xc2: {  	[dreg:$0x0] =	wrdreg $0xFFFFFFFF;
	(pc) =	sbr.abs _section_cstart, $3  }
0xc3: {  	[dreg:$0x1] =	wrdreg $0xFFFFFFFF  }
0xc4: {  	_ =	task.clear_ibuf [dreg:s8], $0x2FFFF;
	_ =	strace $0x9FFFFFFF  }
0xc5: {  	(tm) =	ssettm $0x7FFFFFFF  }
tec
execute0_lowered:
.L_overlay_start_1:
0x0: {  	(tag) =	ssettag $0x1  }
0x1: {  	s4 =	rddreg [dreg:$0x0]  }
0x2: {  	s1 =	srdreg.scid;
	s5 =	rddreg [dreg:$0x1]  }
0x3: {  	s0 =	stileid.u32;
	s7 =	rddreg [dreg:$0x2]  }
0x4: {  	s2 =	rddreg [dreg:$0x3];
	s3 =	simm.s32 $0x0;
	s31 =	simm.s32 $0x80  }
0x5: {  	s15 =	simm.s32 $0x8340;
	s14 =	simm.s32 $0x1;
	s16 =	simm.s32 $0xC340  }
0x6: {  	s17 =	simm.s32 $0x10340;
	s18 =	simm.s32 $0x14340;
	s19 =	simm.s32 $0x6  }
0x7: {  	s20 =	simm.s32 $0x7;
	s21 =	simm.s32 $0x8;
	s6 =	sand.u32 $0x1, s1  }
0x8: {  	s22 =	sshll.u32 s0, $0x1;
	[smem:$0x7FF] =	sst s3;
	s24 =	sshll.u32 s0, $0xD  }
0x9: {  	s10 =	sshll.u32 s0, $0xA;
	s26 =	smul.u32 $0xC8000, s0;
	s28 =	sadd.s32 $0x3C00, s5  }
0xa: {  	s12 =	sadd.s32 $0x1E000, s2;
	_ =	strace $0x80000047;
	[dreg:$0xb] =	wrdreg s28  }
0xb: {  	p0 =	seq.s32 s0, $0xF;
	s1 =	sor.u32 s6, s22;
	[dreg:$0x5] =	wrdreg s31  }
0xc: {  	s9 =	ssub.s32 $0x2, s6;
	s11 =	sadd.s32 s24, s2;
	[dreg:$0x6] =	wrdreg s15  }
0xd: {  	s25 =	sadd.s32 s5, s10;
	s13 =	smul.u32 $0x64000, s6;
	[dreg:$0x7] =	wrdreg s16  }
0xe: {  	s10 =	sshll.u32 @!p0 s0, $0x6;
	s15 =	simm.s32 $0x2;
	[dreg:$0x8] =	wrdreg s17  }
0xf: {  	s16 =	simm.s32 $0x3;
	s17 =	simm.s32 $0x4;
	[dreg:$0x9] =	wrdreg s18  }
0x10: {  	s18 =	simm.s32 $0x5;
	s22 =	simm.s32 $0x9;
	s24 =	simm.s32 $0x0  }
0x11: {  	s8 =	smul.u32 $0x6400, s1;
	s23 =	sshrl.u32 s9, $0x1;
	[dreg:$0xa] =	wrdreg s25  }
0x12: {  	s30 =	sadd.s32 s26, s7;
	s10 =	sor.u32 @!p0 $0x1C0B, s10;
	s11 =	sshrl.u32 @!p0 s11, $0x3  }
0x13: {  	s9 =	ssub.s32 s9, s23;
	s23 =	simm.s32 $0xA;
	s8 =	sshrl.u32 s8, $0x3  }
0x14: {  	s7 =	smax.u32 s9, $0x1;
	s9 =	sshrl.u32 @p0 s12, $0x3;
	s8 =	sadd.s32 s8, s4  }
0x15: {  	s12 =	simm.s32 $0xB;
	s29 =	sadd.s32 $0x400, s8;
	s8 =	sadd.s32 s13, s30  }
0x16: {  	s13 =	simm.s32 $0x18340;
	[dreg:$0xc] =	wrdreg s29;
	s8 =	sadd.s32 $0x2000, s8  }
.LBB2_1:
0x17: {  	s25 =	simm.s32 @p0 $0x1FCB;
	s0 =	rddreg [dreg:$0xb]  }
0x18: {  	[spmem:s9], [sflag:s25] =	dma.local @p0 [hbm:s0], $0x280  }
0x19: {  	s25 =	simm.s32 @p0 $0xB  }
0x1a: {  	_ =	swait.ge @p0 [sflag:s25], $0x280  }
0x1b: {  	[sflag:s25] =	ssyncset.done @p0 $0x0  }
0x1c: {  	s0 =	rddreg [dreg:$0xa];
	[sflag:s25] =	ssyncadd.s32 @p0 $0xFFFFFD80;
	s25 =	simm.s32 @!p0 $0xB  }
0x1d: {  	[spmem:s11], [sflag:s10] =	dma.local @!p0 [hbm:s0], $0x400  }
0x1e: {  	_ =	swait.ge @!p0 [sflag:s25], $0x400  }
0x1f: {  	[sflag:s25] =	ssyncset.done @!p0 $0x0  }
0x20: {  	s26 =	rddreg [dreg:$0xc];
	[sflag:s25] =	ssyncadd.s32 @!p0 $0xFFFFFC00  }
0x21: {  	[tilespmem:s3], [sflag:$0xB] =	stream.linear.gather [hbm4b:s26+s3], $0x6400, $0x38;
	[tilespmem:$0x1C340] =	vst v63  }
0x22: {  	_ =	swait.ge [sflag:s12], $0x6400  }
0x23: {  	[sflag:s12] =	ssyncset.done $0x0  }
0x24: {  	p1 =	por $0x0, $0x0;
	[sflag:s12] =	ssyncadd.s32 $0xFFFF9C00  }
0x25: {  	s25 =	simm.s32 @p1 $0x6;
	[bflag:$0x0] =	sbarrier.arrive $0xFFFF  }
0x26: {  	_ =	swait.ge @p1 [sflag:s25], $0x4000  }
0x27: {  	s28 =	simm.s32 @p1 $0x7;
	s29 =	simm.s32 @p1 $0x80;
	[sflag:s25] =	ssyncset.done @p1 $0x0  }
0x28: {  	s26 =	simm.s32 @p1 $0x8340;
	[sflag:s25] =	ssyncadd.s32 @p1 $0xFFFFC000;
	s25 =	simm.s32 @p1 $0x0  }
0x29: {  	[tilespmem:s26], [sflag:$0x1] =	stream.indirect.gather @p1 [spmem:s2], $0x80, s25, s29, $0xb8;
	[tilespmem:$0x1C340] =	vst v63  }
0x2a: {  	_ =	swait.ge @p1 [sflag:s28], $0x4000  }
0x2b: {  	s25 =	simm.s32 @p1 $0x80;
	[sflag:s28] =	ssyncset.done @p1 $0x0  }
0x2c: {  	s26 =	simm.s32 @p1 $0xC340;
	[sflag:s28] =	ssyncadd.s32 @p1 $0xFFFFC000;
	s28 =	simm.s32 @p1 $0x8  }
0x2d: {  	[tilespmem:s26], [sflag:$0x2] =	stream.indirect.gather @p1 [spmem:s2], $0x80, s25, s29, $0xb8;
	[tilespmem:$0x1C340] =	vst v63  }
0x2e: {  	_ =	swait.ge @p1 [sflag:s28], $0x4000  }
0x2f: {  	s25 =	simm.s32 @p1 $0x100;
	[sflag:s28] =	ssyncset.done @p1 $0x0  }
0x30: {  	s26 =	simm.s32 @p1 $0x10340;
	[sflag:s28] =	ssyncadd.s32 @p1 $0xFFFFC000;
	s28 =	simm.s32 @p1 $0x9  }
0x31: {  	[tilespmem:s26], [sflag:$0x3] =	stream.indirect.gather @p1 [spmem:s2], $0x80, s25, s29, $0xb8;
	[tilespmem:$0x1C340] =	vst v63  }
0x32: {  	_ =	swait.ge @p1 [sflag:s28], $0x4000  }
0x33: {  	s25 =	simm.s32 @p1 $0x180;
	[sflag:s28] =	ssyncset.done @p1 $0x0  }
0x34: {  	s26 =	simm.s32 @p1 $0x14340;
	[sflag:s28] =	ssyncadd.s32 @p1 $0xFFFFC000;
	s28 =	simm.s32 @p1 $0xA  }
0x35: {  	[tilespmem:s26], [sflag:$0x4] =	stream.indirect.gather @p1 [spmem:s2], $0x80, s25, s29, $0xb8;
	[tilespmem:$0x1C340] =	vst v63  }
0x36: {  	_ =	swait.ge @p1 [sflag:s28], $0x4000  }
0x37: {  	s25 =	simm.s32 @!p1 $0x8340;
	[sflag:s28] =	ssyncset.done @p1 $0x0  }
0x38: {  	s26 =	simm.s32 @!p1 $0x0;
	[sflag:s28] =	ssyncadd.s32 @p1 $0xFFFFC000;
	s28 =	simm.s32 @!p1 $0x80  }
0x39: {  	[tilespmem:s25], [sflag:$0x1] =	stream.indirect.gather @!p1 [spmem:s2], $0x80, s26, s28, $0xb8;
	[tilespmem:$0x1C340] =	vst v63  }
0x3a: {  	s25 =	simm.s32 @!p1 $0x80;
	s26 =	simm.s32 @!p1 $0xC340  }
0x3b: {  	[tilespmem:s26], [sflag:$0x2] =	stream.indirect.gather @!p1 [spmem:s2], $0x80, s25, s28, $0xb8;
	[tilespmem:$0x1C340] =	vst v63  }
0x3c: {  	s25 =	simm.s32 @!p1 $0x100;
	s26 =	simm.s32 @!p1 $0x10340  }
0x3d: {  	[tilespmem:s26], [sflag:$0x3] =	stream.indirect.gather @!p1 [spmem:s2], $0x80, s25, s28, $0xb8;
	[tilespmem:$0x1C340] =	vst v63  }
0x3e: {  	s25 =	simm.s32 @!p1 $0x180;
	s26 =	simm.s32 @!p1 $0x14340  }
0x3f: {  	[tilespmem:s26], [sflag:$0x4] =	stream.indirect.gather @!p1 [spmem:s2], $0x80, s25, s28, $0xb8;
	[tilespmem:$0x1C340] =	vst v63  }
0x40: {  	s30 =	simm.s32 $0x200;
	s29 =	rddreg [dreg:$0x5]  }
0x41: {  	[tilespmem:s13], [sflag:$0x5] =	stream.indirect.gather [spmem:s2], $0x80, s30, s29, $0xb8;
	[tilespmem:$0x1C340] =	vst v63  }
0x42: {  	_ =	swait.ge [sflag:s14], $0x4000  }
0x43: {  	[sflag:s14] =	ssyncset.done $0x0  }
0x44: {  	s0 =	sadd.s32 $0xFFFFE000, s8;
	s31 =	rddreg [dreg:$0x6];
	[sflag:s14] =	ssyncadd.s32 $0xFFFFC000  }
0x45: {  	[hbm4b:s0+s3] =	stream.linear.scatter [tilespmem:s31], [sflag:$0x6], $0x4000, $0x38;
	[tilespmem:$0x1C340] =	vst v63  }
0x46: {  	_ =	swait.ge [sflag:s15], $0x4000  }
0x47: {  	[sflag:s15] =	ssyncset.done $0x0  }
0x48: {  	s4 =	sadd.s32 $0xFFFFE800, s8;
	s1 =	rddreg [dreg:$0x7];
	[sflag:s15] =	ssyncadd.s32 $0xFFFFC000  }
0x49: {  	[hbm4b:s4+s3] =	stream.linear.scatter [tilespmem:s1], [sflag:$0x7], $0x4000, $0x38;
	[tilespmem:$0x1C340] =	vst v63  }
0x4a: {  	_ =	swait.ge [sflag:s16], $0x4000  }
0x4b: {  	[sflag:s16] =	ssyncset.done $0x0  }
0x4c: {  	s6 =	sadd.s32 $0xFFFFF000, s8;
	s5 =	rddreg [dreg:$0x8];
	[sflag:s16] =	ssyncadd.s32 $0xFFFFC000  }
0x4d: {  	[hbm4b:s6+s3] =	stream.linear.scatter [tilespmem:s5], [sflag:$0x8], $0x4000, $0x38;
	[tilespmem:$0x1C340] =	vst v63  }
0x4e: {  	_ =	swait.ge [sflag:s17], $0x4000  }
0x4f: {  	s26 =	simm.s32 $0xA00;
	[sflag:s17] =	ssyncset.done $0x0  }
0x50: {  	s31 =	sadd.s32 $0xFFFFF800, s8;
	s30 =	rddreg [dreg:$0x9];
	[sflag:s17] =	ssyncadd.s32 $0xFFFFC000  }
0x51: {  	[hbm4b:s31+s3] =	stream.linear.scatter [tilespmem:s30], [sflag:$0x9], $0x4000, $0x38;
	[tilespmem:$0x1C340] =	vst v63  }
0x52: {  	s28 =	simm.s32 $0x1400;
	p1 =	por $0x1, $0x1;
	_ =	swait.ge [sflag:s18], $0x4000  }
0x53: {  	s25 =	sadd.s32 $0x2800, s8;
	s29 =	smov.u32 s8;
	[sflag:s18] =	ssyncset.done $0x0  }
.LBB2_2:
0x54: {  	s31 =	simm.s32 @p1 $0x6;
	[sflag:s18] =	ssyncadd.s32 $0xFFFFC000  }
0x55: {  	[hbm4b:s29+s3] =	stream.linear.scatter [tilespmem:s13], [sflag:$0xA], $0x4000, $0x38;
	[tilespmem:$0x1C340] =	vst v63  }
0x56: {  	_ =	swait.ge @p1 [sflag:s31], $0x4000  }
0x57: {  	s1 =	simm.s32 @p1 $0x8340;
	s0 =	simm.s32 @p1 $0x7;
	[sflag:s31] =	ssyncset.done @p1 $0x0  }
0x58: {  	s4 =	simm.s32 @p1 $0x80;
	[sflag:s31] =	ssyncadd.s32 @p1 $0xFFFFC000;
	s31 =	sshra.s32 @p1 s26, $0x2  }
0x59: {  	[tilespmem:s1], [sflag:$0x1] =	stream.indirect.gather @p1 [spmem:s2], $0x80, s31, s4, $0xb8;
	[tilespmem:$0x1C340] =	vst v63  }
0x5a: {  	_ =	swait.ge @p1 [sflag:s0], $0x4000  }
0x5b: {  	s6 =	simm.s32 @p1 $0x8;
	[sflag:s0] =	ssyncset.done @p1 $0x0  }
0x5c: {  	s1 =	sadd.s32 @p1 $0x80, s31;
	[sflag:s0] =	ssyncadd.s32 @p1 $0xFFFFC000;
	s0 =	simm.s32 @p1 $0xC340  }
0x5d: {  	[tilespmem:s0], [sflag:$0x2] =	stream.indirect.gather @p1 [spmem:s2], $0x80, s1, s4, $0xb8;
	[tilespmem:$0x1C340] =	vst v63  }
0x5e: {  	_ =	swait.ge @p1 [sflag:s6], $0x4000  }
0x5f: {  	s5 =	sadd.s32 @p1 $0x100, s31;
	[sflag:s6] =	ssyncset.done @p1 $0x0  }
0x60: {  	s0 =	simm.s32 @p1 $0x10340;
	s1 =	simm.s32 @p1 $0x9;
	[sflag:s6] =	ssyncadd.s32 @p1 $0xFFFFC000  }
0x61: {  	[tilespmem:s0], [sflag:$0x3] =	stream.indirect.gather @p1 [spmem:s2], $0x80, s5, s4, $0xb8;
	[tilespmem:$0x1C340] =	vst v63  }
0x62: {  	_ =	swait.ge @p1 [sflag:s1], $0x4000  }
0x63: {  	s31 =	sadd.s32 @p1 $0x180, s31;
	[sflag:s1] =	ssyncset.done @p1 $0x0  }
0x64: {  	s0 =	simm.s32 @p1 $0x14340;
	[sflag:s1] =	ssyncadd.s32 @p1 $0xFFFFC000;
	s1 =	simm.s32 @p1 $0xA  }
0x65: {  	[tilespmem:s0], [sflag:$0x4] =	stream.indirect.gather @p1 [spmem:s2], $0x80, s31, s4, $0xb8;
	[tilespmem:$0x1C340] =	vst v63  }
0x66: {  	_ =	swait.ge @p1 [sflag:s1], $0x4000  }
0x67: {  	s0 =	simm.s32 @!p1 $0x8340;
	[sflag:s1] =	ssyncset.done @p1 $0x0  }
0x68: {  	s4 =	simm.s32 @!p1 $0x80;
	[sflag:s1] =	ssyncadd.s32 @p1 $0xFFFFC000;
	s1 =	sshra.s32 @!p1 s26, $0x2  }
0x69: {  	[tilespmem:s0], [sflag:$0x1] =	stream.indirect.gather @!p1 [spmem:s2], $0x80, s1, s4, $0xb8;
	[tilespmem:$0x1C340] =	vst v63  }
0x6a: {  	s5 =	simm.s32 @!p1 $0xC340;
	s0 =	sadd.s32 @!p1 $0x80, s1  }
0x6b: {  	[tilespmem:s5], [sflag:$0x2] =	stream.indirect.gather @!p1 [spmem:s2], $0x80, s0, s4, $0xb8;
	[tilespmem:$0x1C340] =	vst v63  }
0x6c: {  	s6 =	sadd.s32 @!p1 $0x180, s1;
	s0 =	sadd.s32 @!p1 $0x100, s1;
	s1 =	simm.s32 @!p1 $0x10340  }
0x6d: {  	[tilespmem:s1], [sflag:$0x3] =	stream.indirect.gather @!p1 [spmem:s2], $0x80, s0, s4, $0xb8;
	[tilespmem:$0x1C340] =	vst v63  }
0x6e: {  	s26 =	sshra.s32 s26, $0x2;
	s0 =	simm.s32 @!p1 $0x14340  }
0x6f: {  	[tilespmem:s0], [sflag:$0x4] =	stream.indirect.gather @!p1 [spmem:s2], $0x80, s6, s4, $0xb8;
	[tilespmem:$0x1C340] =	vst v63  }
0x70: {  	s31 =	rddreg [dreg:$0x5];
	s6 =	sadd.s32 $0x200, s26  }
0x71: {  	[tilespmem:s13], [sflag:$0x5] =	stream.indirect.gather [spmem:s2], $0x80, s6, s31, $0xb8;
	[tilespmem:$0x1C340] =	vst v63  }
0x72: {  	s30 =	smov.u32 s28;
	_ =	swait.ge [sflag:s14], $0x4000  }
0x73: {  	s26 =	smov.u32 s30;
	[sflag:s14] =	ssyncset.done $0x0  }
0x74: {  	s31 =	sadd.s32 $0xFFFFE000, s25;
	s30 =	rddreg [dreg:$0x6];
	[sflag:s14] =	ssyncadd.s32 $0xFFFFC000  }
0x75: {  	[hbm4b:s31+s3] =	stream.linear.scatter [tilespmem:s30], [sflag:$0x6], $0x4000, $0x38;
	[tilespmem:$0x1C340] =	vst v63  }
0x76: {  	_ =	swait.ge [sflag:s15], $0x4000  }
0x77: {  	[sflag:s15] =	ssyncset.done $0x0  }
0x78: {  	s4 =	sadd.s32 $0xFFFFE800, s25;
	s1 =	rddreg [dreg:$0x7];
	[sflag:s15] =	ssyncadd.s32 $0xFFFFC000  }
0x79: {  	[hbm4b:s4+s3] =	stream.linear.scatter [tilespmem:s1], [sflag:$0x7], $0x4000, $0x38;
	[tilespmem:$0x1C340] =	vst v63  }
0x7a: {  	_ =	swait.ge [sflag:s16], $0x4000  }
0x7b: {  	s28 =	sadd.s32 $0xA00, s28;
	[sflag:s16] =	ssyncset.done $0x0  }
0x7c: {  	s6 =	sadd.s32 $0xFFFFF000, s25;
	s5 =	rddreg [dreg:$0x8];
	[sflag:s16] =	ssyncadd.s32 $0xFFFFC000  }
0x7d: {  	[hbm4b:s6+s3] =	stream.linear.scatter [tilespmem:s5], [sflag:$0x8], $0x4000, $0x38;
	[tilespmem:$0x1C340] =	vst v63  }
0x7e: {  	p2 =	sne.s32 s28, $0x19000;
	_ =	swait.ge [sflag:s17], $0x4000  }
.Ltmp0:
0x7f: {  	[sflag:s17] =	ssyncset.done $0x0;
	(pc) =	sbr.rel @p2 .LBB2_2-.Ltmp0, $4  }
0x80: {  	s31 =	sadd.s32 $0xFFFFF800, s25;
	s30 =	rddreg [dreg:$0x9];
	[sflag:s17] =	ssyncadd.s32 $0xFFFFC000  }
0x81: {  	[hbm4b:s31+s3] =	stream.linear.scatter [tilespmem:s30], [sflag:$0x9], $0x4000, $0x38;
	[tilespmem:$0x1C340] =	vst v63  }
0x82: {  	s29 =	smov.u32 s25;
	_ =	swait.ge [sflag:s18], $0x4000  }
0x83: {  	p1 =	sne.s32 s26, $0x0;
	s25 =	sadd.s32 $0x2800, s25;
	[sflag:s18] =	ssyncset.done $0x0  }
0x84: {  	s0 =	simm.s32 @p1 $0x6;
	[sflag:s18] =	ssyncadd.s32 $0xFFFFC000  }
0x85: {  	[hbm4b:s29+s3] =	stream.linear.scatter [tilespmem:s13], [sflag:$0xA], $0x4000, $0x38;
	[tilespmem:$0x1C340] =	vst v63  }
0x86: {  	_ =	swait.ge @p1 [sflag:s0], $0x4000  }
0x87: {  	s1 =	simm.s32 @p1 $0x8340;
	s4 =	simm.s32 @p1 $0x7;
	[sflag:s0] =	ssyncset.done @p1 $0x0  }
0x88: {  	s5 =	simm.s32 @p1 $0x80;
	[sflag:s0] =	ssyncadd.s32 @p1 $0xFFFFC000;
	s0 =	sshra.s32 @p1 s26, $0x2  }
0x89: {  	[tilespmem:s1], [sflag:$0x1] =	stream.indirect.gather @p1 [spmem:s2], $0x80, s0, s5, $0xb8;
	[tilespmem:$0x1C340] =	vst v63  }
0x8a: {  	_ =	swait.ge @p1 [sflag:s4], $0x4000  }
0x8b: {  	s6 =	simm.s32 @p1 $0x8;
	[sflag:s4] =	ssyncset.done @p1 $0x0  }
0x8c: {  	s1 =	sadd.s32 @p1 $0x80, s0;
	[sflag:s4] =	ssyncadd.s32 @p1 $0xFFFFC000;
	s4 =	simm.s32 @p1 $0xC340  }
0x8d: {  	[tilespmem:s4], [sflag:$0x2] =	stream.indirect.gather @p1 [spmem:s2], $0x80, s1, s5, $0xb8;
	[tilespmem:$0x1C340] =	vst v63  }
0x8e: {  	_ =	swait.ge @p1 [sflag:s6], $0x4000  }
0x8f: {  	s1 =	sadd.s32 @p1 $0x100, s0;
	[sflag:s6] =	ssyncset.done @p1 $0x0  }
0x90: {  	s4 =	simm.s32 @p1 $0x10340;
	[sflag:s6] =	ssyncadd.s32 @p1 $0xFFFFC000;
	s6 =	simm.s32 @p1 $0x9  }
0x91: {  	[tilespmem:s4], [sflag:$0x3] =	stream.indirect.gather @p1 [spmem:s2], $0x80, s1, s5, $0xb8;
	[tilespmem:$0x1C340] =	vst v63  }
0x92: {  	_ =	swait.ge @p1 [sflag:s6], $0x4000  }
0x93: {  	s0 =	sadd.s32 @p1 $0x180, s0;
	[sflag:s6] =	ssyncset.done @p1 $0x0  }
0x94: {  	s1 =	simm.s32 @p1 $0x14340;
	s4 =	simm.s32 @p1 $0xA;
	[sflag:s6] =	ssyncadd.s32 @p1 $0xFFFFC000  }
0x95: {  	[tilespmem:s1], [sflag:$0x4] =	stream.indirect.gather @p1 [spmem:s2], $0x80, s0, s5, $0xb8;
	[tilespmem:$0x1C340] =	vst v63  }
0x96: {  	_ =	swait.ge @p1 [sflag:s4], $0x4000  }
0x97: {  	s0 =	simm.s32 @!p1 $0x8340;
	[sflag:s4] =	ssyncset.done @p1 $0x0  }
0x98: {  	s1 =	sshra.s32 @!p1 s26, $0x2;
	[sflag:s4] =	ssyncadd.s32 @p1 $0xFFFFC000;
	s4 =	simm.s32 @!p1 $0x80  }
0x99: {  	[tilespmem:s0], [sflag:$0x1] =	stream.indirect.gather @!p1 [spmem:s2], $0x80, s1, s4, $0xb8;
	[tilespmem:$0x1C340] =	vst v63  }
0x9a: {  	s5 =	simm.s32 @!p1 $0xC340;
	s0 =	sadd.s32 @!p1 $0x80, s1  }
0x9b: {  	[tilespmem:s5], [sflag:$0x2] =	stream.indirect.gather @!p1 [spmem:s2], $0x80, s0, s4, $0xb8;
	[tilespmem:$0x1C340] =	vst v63  }
0x9c: {  	s0 =	sadd.s32 @!p1 $0x180, s1;
	s1 =	sadd.s32 @!p1 $0x100, s1;
	s5 =	simm.s32 @!p1 $0x10340  }
0x9d: {  	[tilespmem:s5], [sflag:$0x3] =	stream.indirect.gather @!p1 [spmem:s2], $0x80, s1, s4, $0xb8;
	[tilespmem:$0x1C340] =	vst v63  }
0x9e: {  	s30 =	sshra.s32 s26, $0x2;
	s1 =	simm.s32 @!p1 $0x14340  }
0x9f: {  	[tilespmem:s1], [sflag:$0x4] =	stream.indirect.gather @!p1 [spmem:s2], $0x80, s0, s4, $0xb8;
	[tilespmem:$0x1C340] =	vst v63  }
0xa0: {  	s31 =	rddreg [dreg:$0x5];
	s1 =	sadd.s32 $0x200, s30  }
0xa1: {  	[tilespmem:s13], [sflag:$0x5] =	stream.indirect.gather [spmem:s2], $0x80, s1, s31, $0xb8;
	[tilespmem:$0x1C340] =	vst v63  }
0xa2: {  	_ =	swait.ge [sflag:s14], $0x4000  }
0xa3: {  	[sflag:s14] =	ssyncset.done $0x0  }
0xa4: {  	s5 =	sadd.s32 $0xFFFFE000, s25;
	s4 =	rddreg [dreg:$0x6];
	[sflag:s14] =	ssyncadd.s32 $0xFFFFC000  }
0xa5: {  	[hbm4b:s5+s3] =	stream.linear.scatter [tilespmem:s4], [sflag:$0x6], $0x4000, $0x38;
	[tilespmem:$0x1C340] =	vst v63  }
0xa6: {  	_ =	swait.ge [sflag:s15], $0x4000  }
0xa7: {  	[sflag:s15] =	ssyncset.done $0x0  }
0xa8: {  	s26 =	sadd.s32 $0xFFFFE800, s25;
	s6 =	rddreg [dreg:$0x7];
	[sflag:s15] =	ssyncadd.s32 $0xFFFFC000  }
0xa9: {  	[hbm4b:s26+s3] =	stream.linear.scatter [tilespmem:s6], [sflag:$0x7], $0x4000, $0x38;
	[tilespmem:$0x1C340] =	vst v63  }
0xaa: {  	_ =	swait.ge [sflag:s16], $0x4000  }
0xab: {  	[sflag:s16] =	ssyncset.done $0x0  }
0xac: {  	s29 =	sadd.s32 $0xFFFFF000, s25;
	s28 =	rddreg [dreg:$0x8];
	[sflag:s16] =	ssyncadd.s32 $0xFFFFC000  }
0xad: {  	[hbm4b:s29+s3] =	stream.linear.scatter [tilespmem:s28], [sflag:$0x8], $0x4000, $0x38;
	[tilespmem:$0x1C340] =	vst v63  }
0xae: {  	_ =	swait.ge [sflag:s17], $0x4000  }
0xaf: {  	[sflag:s17] =	ssyncset.done $0x0  }
0xb0: {  	s31 =	sadd.s32 $0xFFFFF800, s25;
	s30 =	rddreg [dreg:$0x9];
	[sflag:s17] =	ssyncadd.s32 $0xFFFFC000  }
0xb1: {  	[hbm4b:s31+s3] =	stream.linear.scatter [tilespmem:s30], [sflag:$0x9], $0x4000, $0x38;
	[tilespmem:$0x1C340] =	vst v63  }
0xb2: {  	_ =	swait.ge [sflag:s18], $0x4000  }
0xb3: {  	[sflag:s18] =	ssyncset.done $0x0  }
0xb4: {  	[sflag:s18] =	ssyncadd.s32 $0xFFFFC000  }
0xb5: {  	[hbm4b:s25+s3] =	stream.linear.scatter [tilespmem:s13], [sflag:$0xA], $0x4000, $0x38;
	[tilespmem:$0x1C340] =	vst v63  }
0xb6: {  	_ =	swait.ge [sflag:s19], $0x4000  }
0xb7: {  	[sflag:s19] =	ssyncset.done $0x0  }
0xb8: {  	[sflag:s19] =	ssyncadd.s32 $0xFFFFC000  }
0xb9: {  	_ =	swait.ge [sflag:s20], $0x4000  }
0xba: {  	[sflag:s20] =	ssyncset.done $0x0  }
0xbb: {  	[sflag:s20] =	ssyncadd.s32 $0xFFFFC000  }
0xbc: {  	_ =	swait.ge [sflag:s21], $0x4000  }
0xbd: {  	[sflag:s21] =	ssyncset.done $0x0  }
0xbe: {  	s24 =	sadd.s32 $0x1, s24;
	[sflag:s21] =	ssyncadd.s32 $0xFFFFC000  }
0xbf: {  	p1 =	sne.s32 s24, s7;
	_ =	swait.ge [sflag:s22], $0x4000  }
.Ltmp1:
0xc0: {  	[sflag:s22] =	ssyncset.done $0x0;
	(pc) =	sbr.rel @p1 .LBB2_1-.Ltmp1, $4  }
0xc1: {  	[sflag:s22] =	ssyncadd.s32 $0xFFFFC000  }
0xc2: {  	_ =	swait.ge [sflag:s23], $0x4000  }
0xc3: {  	[sflag:s23] =	ssyncset.done $0x0  }
0xc4: {  	[sflag:s23] =	ssyncadd.s32 $0xFFFFC000  }
0xc5: {  	_ =	sfence.sel $0x180000  }
0xc6: {  	[bflag:$0x0] =	sbarrier.arrive $0xFFFF  }
0xc7: {  	_ =	strace $0x90000047  }
0xc8: {  	s0 =	stileid.u32;
	[bflag:$0x2] =	sbarrier.arrive $0xFFFF  }
0xc9: {  	p0 =	sne.s32 s0, $0x0;
	s0 =	rddreg [dreg:$0x4]  }
0xca: {  	s0 =	sadd.s32 @!p0 $0x100000, s0  }
0xcb: {  	[sflag:s0] =	ssyncadd.tile.s32 @!p0 $0x1;
	_ =	shalt  }
.Lfunc_end2:
_tile_overlayer_lowered:
.L_overlay_start_2:
0xcc: {  	(tag) =	ssettag $0x2  }
0xcd: {  	s0 =	rddreg [dreg:$0x0];
	s2 =	stileid.u32  }
0xce: {  	s1 =	rddreg [dreg:$0x1];
	p0 =	sne.s32 s2, $0x0  }
0xcf: {  	s3 =	rddreg [dreg:$0x2];
	[bflag:$0x3] =	sbarrier.arrive $0xFFFF;
	s2 =	simm.s32 @!p0 $0x1C0B  }
0xd0: {  	[timem:s3], [sflag:s2] =	dma.local @!p0 [hbm:s0], s1  }
0xd1: {  	s0 =	simm.s32 @!p0 $0xB  }
0xd2: {  	_ =	swait.ge @!p0 [sflag:s0], s1  }
0xd3: {  	s1 =	ssub.s32 @!p0 $0x0, s1;
	[sflag:s0] =	ssyncset.done @!p0 $0x0  }
0xd4: {  	[sflag:s0] =	ssyncadd.s32 @!p0 s1  }
0xd5: {  	[bflag:$0x3] =	sbarrier.arrive $0xFFFF  }
0xd6: {  	_ =	shalt  }

</sc_bundles>
